<compile_context>
chip_gen: v7x
topology: tpu7x:2x2x1
jax: 0.10.2.dev20260603
libtpu: 0.0.44.dev20260713+nightly
codegen_flags: <defaults>
</compile_context>

<pallas_src>
import functools

import jax
import jax.numpy as jnp
from jax import lax
from jax.experimental import pallas as pl
from jax.experimental.pallas import tpu as pltpu
from jax.experimental.pallas import tpu_sc as plsc

N_NODES = 10000
N_EDGES = 320000
D_FEAT = 128

NC = 2
NS = 16
L = 16
NW = NC * NS
E_CH = 10240
E_LAST = N_EDGES - (NW - 1) * E_CH
N_PAD = 10240

_mesh = plsc.VectorSubcoreMesh(
    core_axis_name="c", subcore_axis_name="s", num_cores=NC, num_subcores=NS
)

_params = pltpu.CompilerParams(needs_layout_passes=False)

_UNROLL = 8


@functools.partial(
    pl.kernel,
    out_type=jax.ShapeDtypeStruct((NW * N_PAD,), jnp.float32),
    mesh=_mesh,
    scratch_types=[
        pltpu.VMEM((2, E_CH), jnp.int32),
        pltpu.VMEM((N_PAD,), jnp.float32),
        pltpu.SemaphoreType.DMA,
    ],
    compiler_params=_params,
)
def _membership_scatter(ei_hbm, part_hbm, idx_v, flags_v, sem):
    wid = lax.axis_index("c") * NS + lax.axis_index("s")
    ebase = wid * E_CH

    @pl.when(wid < NW - 1)
    def _():
        pltpu.async_copy(ei_hbm.at[:, pl.ds(ebase, E_CH)], idx_v, sem)

    @pl.when(wid == NW - 1)
    def _():
        pltpu.async_copy(
            ei_hbm.at[:, pl.ds(ebase, E_LAST)],
            idx_v.at[:, pl.ds(0, E_LAST)],
            sem,
        )

    zero = jnp.zeros((L,), jnp.float32)

    def zbody(i, carry):
        for k in range(_UNROLL):
            flags_v[pl.ds((i * _UNROLL + k) * L, L)] = zero
        return carry

    lax.fori_loop(0, N_PAD // (L * _UNROLL), zbody, 0)

    @pl.when(wid < NW - 1)
    def _():
        pltpu.make_async_copy(
            ei_hbm.at[:, pl.ds(ebase, E_CH)], idx_v, sem
        ).wait()

    @pl.when(wid == NW - 1)
    def _():
        pltpu.make_async_copy(
            ei_hbm.at[:, pl.ds(ebase, E_LAST)],
            idx_v.at[:, pl.ds(0, E_LAST)],
            sem,
        ).wait()

    one = jnp.ones((L,), jnp.float32)

    def sbody(i, carry):
        for k in range(_UNROLL):
            iv = idx_v[1, pl.ds((i * _UNROLL + k) * L, L)]
            plsc.store_scatter(flags_v, [iv], one)
        return carry

    n_edges_t = jnp.where(wid == NW - 1, E_LAST, E_CH)
    lax.fori_loop(0, n_edges_t // (L * _UNROLL), sbody, 0)
    pltpu.sync_copy(flags_v, part_hbm.at[pl.ds(wid * N_PAD, N_PAD)])


C_TC = 8
B_TC = C_TC * 128


def _reduce_broadcast_tc(part_ref, out_ref):
    p = part_ref[...]
    s = jnp.sum(p, axis=0)
    r = lax.broadcasted_iota(jnp.int32, (128, 128), 0)
    c = lax.broadcasted_iota(jnp.int32, (128, 128), 1)
    eye = (r == c).astype(jnp.float32)
    t = lax.dot_general(
        eye, s, (((1,), (1,)), ((), ())), preferred_element_type=jnp.float32
    )
    f = jnp.where(t > 0.0, 1.0, 0.0)
    out_ref[...] = jnp.concatenate(
        [jnp.broadcast_to(f[:, j:j + 1], (128, D_FEAT)) for j in range(C_TC)],
        axis=0,
    )


_reduce_broadcast = pl.pallas_call(
    _reduce_broadcast_tc,
    grid=(N_PAD // B_TC,),
    in_specs=[pl.BlockSpec((NW, C_TC, 128), lambda i: (0, i, 0))],
    out_specs=pl.BlockSpec((B_TC, D_FEAT), lambda i: (i, 0)),
    out_shape=jax.ShapeDtypeStruct((N_NODES, D_FEAT), jnp.float32),
)


def kernel(source_node_representation_with_coefficient, edge_index):
    del source_node_representation_with_coefficient
    part = _membership_scatter(edge_index)
    return _reduce_broadcast(part.reshape(NW, N_PAD // 128, 128))

# --- scband reference (transcript-rebuilt; emitter-appended) ---
"""Pipeline reference for scband-aggregation-74904229642960 (READ-ONLY COPY).

The authoritative reference and input builder live on the scoring server;
editing this copy changes nothing except your own understanding.
"""

import jax, jax.numpy as jnp
import numpy as np

N_NODES = 10000
N_EDGES = 320000
D_FEAT = 128


def setup_inputs(seed: int = 0) -> dict:
    key = jax.random.key(seed)
    k1, k2 = jax.random.split(key)
    x = jax.random.normal(k1, (N_EDGES, D_FEAT), dtype=jnp.float32)
    edge_index = jax.random.randint(k2, (2, N_EDGES), 0, N_NODES, dtype=jnp.int32)
    return {
        "source_node_representation_with_coefficient": x,
        "edge_index": edge_index,
    }


def reference(source_node_representation_with_coefficient, edge_index):
    x = source_node_representation_with_coefficient
    idx = edge_index[1]
    # scatter_softmax over dim 0 grouped by target node index
    seg_max = jax.ops.segment_max(x, idx, num_segments=N_NODES)
    seg_max = jnp.where(jnp.isfinite(seg_max), seg_max, jnp.zeros_like(seg_max))
    recentered = x - seg_max[idx]
    ex = jnp.exp(recentered)
    denom = jax.ops.segment_sum(ex, idx, num_segments=N_NODES)
    softmax = ex / (denom[idx] + 1e-16)
    # scatter_add of the softmax values grouped by the same target index
    out = jax.ops.segment_sum(softmax, idx, num_segments=N_NODES)
    return out

if __name__ == "__main__":
    import jax
    _d = setup_inputs()
    print(jax.jit(kernel)(*tuple(_d.values())))

</pallas_src>

<mosaic_0001>
#map = affine_map<(d0, d1) -> (0, 0)>
#map1 = affine_map<(d0, d1) -> (0)>
module attributes {stable_mosaic.version = 14 : i64} {
  func.func @_membership_scatter(%arg0: i32, %arg1: i32, %arg2: memref<2x320000xi32, #tpu.memory_space<hbm>>, %arg3: memref<327680xf32, #tpu.memory_space<hbm>>, %arg4: memref<2x10240xi32, #tpu.memory_space<vmem>>, %arg5: memref<10240xf32, #tpu.memory_space<vmem>>, %arg6: memref<!tpu.dma_semaphore, #tpu.memory_space<semaphore_mem>>) attributes {dimension_semantics = [#tpu.dimension_semantics<core_parallel>, #tpu.dimension_semantics<subcore_parallel>], iteration_bounds = array<i64: 2, 16>, scalar_prefetch = 0 : i64, scratch_operands = 3 : i64, tpu.core_type = #tpu.core_type<sc_vector_subcore>, window_params = [{transform_indices = #map}, {transform_indices = #map1}]} {
    %mul3A = arith.constant 16 : i32
    %mul3A_0 = arith.muli %arg0, %mul3A : i32
    %add3A = arith.addi %mul3A_0, %arg1 : i32
    %mul3A_1 = arith.constant 10240 : i32
    %mul3A_2 = arith.muli %add3A, %mul3A_1 : i32
    %lt3A = arith.constant 31 : i32
    %lt3A_3 = arith.cmpi slt, %add3A, %lt3A : i32
    %convert_element_type3A = arith.extui %lt3A_3 : i1 to i32
    %cond3A = arith.constant 0 : i32
    %cond3A_4 = arith.cmpi ne, %convert_element_type3A, %cond3A : i32
    scf.if %cond3A_4 {
      %dma_start3A = arith.constant 0 : i32
      %dma_start3A_59 = tpu.memref_slice %arg2[%dma_start3A, %mul3A_2] : memref<2x320000xi32, #tpu.memory_space<hbm>> -> memref<2x10240xi32, #tpu.memory_space<hbm>>
      %dma_start3A_60 = arith.constant 0 : i32
      %dma_start3A_61 = tpu.memref_slice %arg2[%dma_start3A_60, %mul3A_2] : memref<2x320000xi32, #tpu.memory_space<hbm>> -> memref<2x10240xi32, #tpu.memory_space<hbm>>
      tpu.enqueue_dma source(%dma_start3A_61 : memref<2x10240xi32, #tpu.memory_space<hbm>>) target(%arg4 : memref<2x10240xi32, #tpu.memory_space<vmem>>) target_semaphore(%arg6 : memref<!tpu.dma_semaphore, #tpu.memory_space<semaphore_mem>>)
    } else {
    }
    %eq3A = arith.constant 31 : i32
    %eq3A_5 = arith.cmpi eq, %add3A, %eq3A : i32
    %convert_element_type3A_6 = arith.extui %eq3A_5 : i1 to i32
    %cond3A_7 = arith.constant 0 : i32
    %cond3A_8 = arith.cmpi ne, %convert_element_type3A_6, %cond3A_7 : i32
    scf.if %cond3A_8 {
      %dma_start3A = arith.constant 0 : i32
      %dma_start3A_59 = arith.constant 0 : i32
      %dma_start3A_60 = tpu.memref_slice %arg4[%dma_start3A, %dma_start3A_59] : memref<2x10240xi32, #tpu.memory_space<vmem>> -> memref<2x2560xi32, #tpu.memory_space<vmem>>
      %dma_start3A_61 = arith.constant 0 : i32
      %dma_start3A_62 = tpu.memref_slice %arg2[%dma_start3A_61, %mul3A_2] : memref<2x320000xi32, #tpu.memory_space<hbm>> -> memref<2x2560xi32, #tpu.memory_space<hbm>>
      %dma_start3A_63 = arith.constant 0 : i32
      %dma_start3A_64 = arith.constant 0 : i32
      %dma_start3A_65 = tpu.memref_slice %arg4[%dma_start3A_63, %dma_start3A_64] : memref<2x10240xi32, #tpu.memory_space<vmem>> -> memref<2x2560xi32, #tpu.memory_space<vmem>>
      %dma_start3A_66 = arith.constant 0 : i32
      %dma_start3A_67 = tpu.memref_slice %arg2[%dma_start3A_66, %mul3A_2] : memref<2x320000xi32, #tpu.memory_space<hbm>> -> memref<2x2560xi32, #tpu.memory_space<hbm>>
      tpu.enqueue_dma source(%dma_start3A_67 : memref<2x2560xi32, #tpu.memory_space<hbm>>) target(%dma_start3A_65 : memref<2x2560xi32, #tpu.memory_space<vmem>>) target_semaphore(%arg6 : memref<!tpu.dma_semaphore, #tpu.memory_space<semaphore_mem>>)
    } else {
    }
    %broadcast_in_dim3A = arith.constant 0.000000e+00 : f32
    %broadcast_in_dim3A_9 = vector.broadcast %broadcast_in_dim3A : f32 to vector<16xf32>
    %scan3A = arith.constant 0 : i32
    %scan3A_10 = arith.constant 0 : i32
    %scan3A_11 = arith.constant 80 : i32
    %scan3A_12 = arith.addi %scan3A_10, %scan3A_11 : i32
    %scan3A_13 = arith.constant 1 : i32
    scf.for %scan3A_59 = %scan3A_10 to %scan3A_12 step %scan3A_13  : i32 {
      %mul3A_60 = arith.constant 8 : i32
      %mul3A_61 = arith.muli %scan3A_59, %mul3A_60 : i32
      %add3A_62 = arith.constant 0 : i32
      %add3A_63 = arith.addi %mul3A_61, %add3A_62 : i32
      %mul3A_64 = arith.constant 16 : i32
      %mul3A_65 = arith.muli %add3A_63, %mul3A_64 : i32
      %swap3A = arith.index_cast %mul3A_65 : i32 to index
      %swap3A_66 = tpu.vector_load %arg5[%swap3A] {strides = array<i32>} : memref<10240xf32, #tpu.memory_space<vmem>>, vector<16xf32>,
      tpu.vector_store %arg5[%swap3A], %broadcast_in_dim3A_9 {strides = array<i32>} : memref<10240xf32, #tpu.memory_space<vmem>>, vector<16xf32>,
      %mul3A_67 = arith.constant 8 : i32
      %mul3A_68 = arith.muli %scan3A_59, %mul3A_67 : i32
      %add3A_69 = arith.constant 1 : i32
      %add3A_70 = arith.addi %mul3A_68, %add3A_69 : i32
      %mul3A_71 = arith.constant 16 : i32
      %mul3A_72 = arith.muli %add3A_70, %mul3A_71 : i32
      %swap3A_73 = arith.index_cast %mul3A_72 : i32 to index
      %swap3A_74 = tpu.vector_load %arg5[%swap3A_73] {strides = array<i32>} : memref<10240xf32, #tpu.memory_space<vmem>>, vector<16xf32>,
      tpu.vector_store %arg5[%swap3A_73], %broadcast_in_dim3A_9 {strides = array<i32>} : memref<10240xf32, #tpu.memory_space<vmem>>, vector<16xf32>,
      %mul3A_75 = arith.constant 8 : i32
      %mul3A_76 = arith.muli %scan3A_59, %mul3A_75 : i32
      %add3A_77 = arith.constant 2 : i32
      %add3A_78 = arith.addi %mul3A_76, %add3A_77 : i32
      %mul3A_79 = arith.constant 16 : i32
      %mul3A_80 = arith.muli %add3A_78, %mul3A_79 : i32
      %swap3A_81 = arith.index_cast %mul3A_80 : i32 to index
      %swap3A_82 = tpu.vector_load %arg5[%swap3A_81] {strides = array<i32>} : memref<10240xf32, #tpu.memory_space<vmem>>, vector<16xf32>,
      tpu.vector_store %arg5[%swap3A_81], %broadcast_in_dim3A_9 {strides = array<i32>} : memref<10240xf32, #tpu.memory_space<vmem>>, vector<16xf32>,
      %mul3A_83 = arith.constant 8 : i32
      %mul3A_84 = arith.muli %scan3A_59, %mul3A_83 : i32
      %add3A_85 = arith.constant 3 : i32
      %add3A_86 = arith.addi %mul3A_84, %add3A_85 : i32
      %mul3A_87 = arith.constant 16 : i32
      %mul3A_88 = arith.muli %add3A_86, %mul3A_87 : i32
      %swap3A_89 = arith.index_cast %mul3A_88 : i32 to index
      %swap3A_90 = tpu.vector_load %arg5[%swap3A_89] {strides = array<i32>} : memref<10240xf32, #tpu.memory_space<vmem>>, vector<16xf32>,
      tpu.vector_store %arg5[%swap3A_89], %broadcast_in_dim3A_9 {strides = array<i32>} : memref<10240xf32, #tpu.memory_space<vmem>>, vector<16xf32>,
      %mul3A_91 = arith.constant 8 : i32
      %mul3A_92 = arith.muli %scan3A_59, %mul3A_91 : i32
      %add3A_93 = arith.constant 4 : i32
      %add3A_94 = arith.addi %mul3A_92, %add3A_93 : i32
      %mul3A_95 = arith.constant 16 : i32
      %mul3A_96 = arith.muli %add3A_94, %mul3A_95 : i32
      %swap3A_97 = arith.index_cast %mul3A_96 : i32 to index
      %swap3A_98 = tpu.vector_load %arg5[%swap3A_97] {strides = array<i32>} : memref<10240xf32, #tpu.memory_space<vmem>>, vector<16xf32>,
      tpu.vector_store %arg5[%swap3A_97], %broadcast_in_dim3A_9 {strides = array<i32>} : memref<10240xf32, #tpu.memory_space<vmem>>, vector<16xf32>,
      %mul3A_99 = arith.constant 8 : i32
      %mul3A_100 = arith.muli %scan3A_59, %mul3A_99 : i32
      %add3A_101 = arith.constant 5 : i32
      %add3A_102 = arith.addi %mul3A_100, %add3A_101 : i32
      %mul3A_103 = arith.constant 16 : i32
      %mul3A_104 = arith.muli %add3A_102, %mul3A_103 : i32
      %swap3A_105 = arith.index_cast %mul3A_104 : i32 to index
      %swap3A_106 = tpu.vector_load %arg5[%swap3A_105] {strides = array<i32>} : memref<10240xf32, #tpu.memory_space<vmem>>, vector<16xf32>,
      tpu.vector_store %arg5[%swap3A_105], %broadcast_in_dim3A_9 {strides = array<i32>} : memref<10240xf32, #tpu.memory_space<vmem>>, vector<16xf32>,
      %mul3A_107 = arith.constant 8 : i32
      %mul3A_108 = arith.muli %scan3A_59, %mul3A_107 : i32
      %add3A_109 = arith.constant 6 : i32
      %add3A_110 = arith.addi %mul3A_108, %add3A_109 : i32
      %mul3A_111 = arith.constant 16 : i32
      %mul3A_112 = arith.muli %add3A_110, %mul3A_111 : i32
      %swap3A_113 = arith.index_cast %mul3A_112 : i32 to index
      %swap3A_114 = tpu.vector_load %arg5[%swap3A_113] {strides = array<i32>} : memref<10240xf32, #tpu.memory_space<vmem>>, vector<16xf32>,
      tpu.vector_store %arg5[%swap3A_113], %broadcast_in_dim3A_9 {strides = array<i32>} : memref<10240xf32, #tpu.memory_space<vmem>>, vector<16xf32>,
      %mul3A_115 = arith.constant 8 : i32
      %mul3A_116 = arith.muli %scan3A_59, %mul3A_115 : i32
      %add3A_117 = arith.constant 7 : i32
      %add3A_118 = arith.addi %mul3A_116, %add3A_117 : i32
      %mul3A_119 = arith.constant 16 : i32
      %mul3A_120 = arith.muli %add3A_118, %mul3A_119 : i32
      %swap3A_121 = arith.index_cast %mul3A_120 : i32 to index
      %swap3A_122 = tpu.vector_load %arg5[%swap3A_121] {strides = array<i32>} : memref<10240xf32, #tpu.memory_space<vmem>>, vector<16xf32>,
      tpu.vector_store %arg5[%swap3A_121], %broadcast_in_dim3A_9 {strides = array<i32>} : memref<10240xf32, #tpu.memory_space<vmem>>, vector<16xf32>,
    }
    %scan3A_14 = arith.constant 80 : i32
    %lt3A_15 = arith.constant 31 : i32
    %lt3A_16 = arith.cmpi slt, %add3A, %lt3A_15 : i32
    %convert_element_type3A_17 = arith.extui %lt3A_16 : i1 to i32
    %cond3A_18 = arith.constant 0 : i32
    %cond3A_19 = arith.cmpi ne, %convert_element_type3A_17, %cond3A_18 : i32
    scf.if %cond3A_19 {
      %dma_wait3A = arith.constant 0 : i32
      %dma_wait3A_59 = tpu.memref_slice %arg2[%dma_wait3A, %mul3A_2] : memref<2x320000xi32, #tpu.memory_space<hbm>> -> memref<2x10240xi32, #tpu.memory_space<hbm>>
      %dma_wait3A_60 = arith.constant 0 : i32
      %dma_wait3A_61 = tpu.memref_slice %arg2[%dma_wait3A_60, %mul3A_2] : memref<2x320000xi32, #tpu.memory_space<hbm>> -> memref<2x10240xi32, #tpu.memory_space<hbm>>
      tpu.wait_dma2 semaphore(%arg6 : memref<!tpu.dma_semaphore, #tpu.memory_space<semaphore_mem>>) src(%dma_wait3A_61 : memref<2x10240xi32, #tpu.memory_space<hbm>>) dst(%arg4 : memref<2x10240xi32, #tpu.memory_space<vmem>>)
    } else {
    }
    %eq3A_20 = arith.constant 31 : i32
    %eq3A_21 = arith.cmpi eq, %add3A, %eq3A_20 : i32
    %convert_element_type3A_22 = arith.extui %eq3A_21 : i1 to i32
    %cond3A_23 = arith.constant 0 : i32
    %cond3A_24 = arith.cmpi ne, %convert_element_type3A_22, %cond3A_23 : i32
    scf.if %cond3A_24 {
      %dma_wait3A = arith.constant 0 : i32
      %dma_wait3A_59 = arith.constant 0 : i32
      %dma_wait3A_60 = tpu.memref_slice %arg4[%dma_wait3A, %dma_wait3A_59] : memref<2x10240xi32, #tpu.memory_space<vmem>> -> memref<2x2560xi32, #tpu.memory_space<vmem>>
      %dma_wait3A_61 = arith.constant 0 : i32
      %dma_wait3A_62 = tpu.memref_slice %arg2[%dma_wait3A_61, %mul3A_2] : memref<2x320000xi32, #tpu.memory_space<hbm>> -> memref<2x2560xi32, #tpu.memory_space<hbm>>
      %dma_wait3A_63 = arith.constant 0 : i32
      %dma_wait3A_64 = arith.constant 0 : i32
      %dma_wait3A_65 = tpu.memref_slice %arg4[%dma_wait3A_63, %dma_wait3A_64] : memref<2x10240xi32, #tpu.memory_space<vmem>> -> memref<2x2560xi32, #tpu.memory_space<vmem>>
      %dma_wait3A_66 = arith.constant 0 : i32
      %dma_wait3A_67 = tpu.memref_slice %arg2[%dma_wait3A_66, %mul3A_2] : memref<2x320000xi32, #tpu.memory_space<hbm>> -> memref<2x2560xi32, #tpu.memory_space<hbm>>
      tpu.wait_dma2 semaphore(%arg6 : memref<!tpu.dma_semaphore, #tpu.memory_space<semaphore_mem>>) src(%dma_wait3A_67 : memref<2x2560xi32, #tpu.memory_space<hbm>>) dst(%dma_wait3A_65 : memref<2x2560xi32, #tpu.memory_space<vmem>>)
    } else {
    }
    %broadcast_in_dim3A_25 = arith.constant 1.000000e+00 : f32
    %broadcast_in_dim3A_26 = vector.broadcast %broadcast_in_dim3A_25 : f32 to vector<16xf32>
    %eq3A_27 = arith.constant 31 : i32
    %eq3A_28 = arith.cmpi eq, %add3A, %eq3A_27 : i32
    %jit3A = arith.constant 2560 : i32
    %jit3A_29 = arith.constant 10240 : i32
    %select_n3A = arith.select %eq3A_28, %jit3A, %jit3A_29 : i32
    %jit3A_30 = arith.constant 128 : i32
    %div3A = arith.divsi %select_n3A, %jit3A_30 : i32
    %sign3A = arith.constant 0 : i32
    %sign3A_31 = arith.cmpi sgt, %select_n3A, %sign3A : i32
    %sign3A_32 = arith.extui %sign3A_31 : i1 to i32
    %sign3A_33 = arith.constant 0 : i32
    %sign3A_34 = arith.cmpi slt, %select_n3A, %sign3A_33 : i32
    %sign3A_35 = arith.extui %sign3A_34 : i1 to i32
    %sign3A_36 = arith.subi %sign3A_32, %sign3A_35 : i32
    %sign3A_37 = arith.constant 0 : i32
    %sign3A_38 = arith.cmpi sgt, %jit3A_30, %sign3A_37 : i32
    %sign3A_39 = arith.extui %sign3A_38 : i1 to i32
    %sign3A_40 = arith.constant 0 : i32
    %sign3A_41 = arith.cmpi slt, %jit3A_30, %sign3A_40 : i32
    %sign3A_42 = arith.extui %sign3A_41 : i1 to i32
    %sign3A_43 = arith.subi %sign3A_39, %sign3A_42 : i32
    %ne3A = arith.cmpi ne, %sign3A_36, %sign3A_43 : i32
    %rem3A = arith.remsi %select_n3A, %jit3A_30 : i32
    %ne3A_44 = arith.constant 0 : i32
    %ne3A_45 = arith.cmpi ne, %rem3A, %ne3A_44 : i32
    %and3A = arith.andi %ne3A, %ne3A_45 : i1
    %sub3A = arith.constant 1 : i32
    %sub3A_46 = arith.subi %div3A, %sub3A : i32
    %select_n3A_47 = arith.select %and3A, %sub3A_46, %div3A : i32
    %while3A = arith.constant 0 : i32
    %while3A_48 = arith.constant 0 : i32
    %while3A_49 = arith.subi %select_n3A_47, %while3A_48 : i32
    %while3A_50 = arith.addi %while3A_48, %while3A_49 : i32
    %while3A_51 = arith.constant 1 : i32
    %while3A_52 = arith.divsi %while3A_49, %while3A_51 : i32
    %while3A_53 = arith.muli %while3A_52, %while3A_51 : i32
    %while3A_54 = arith.addi %while3A_48, %while3A_53 : i32
    %while3A_55 = arith.constant 1 : i32
    scf.for %while3A_59 = %while3A_48 to %while3A_54 step %while3A_55  : i32 {
      %mul3A_60 = arith.constant 8 : i32
      %mul3A_61 = arith.muli %while3A_59, %mul3A_60 : i32
      %add3A_62 = arith.constant 0 : i32
      %add3A_63 = arith.addi %mul3A_61, %add3A_62 : i32
      %mul3A_64 = arith.constant 16 : i32
      %mul3A_65 = arith.muli %add3A_63, %mul3A_64 : i32
      %get3A = arith.constant 1 : i32
      %get3A_66 = arith.index_cast %get3A : i32 to index
      %get3A_67 = arith.index_cast %mul3A_65 : i32 to index
      %get3A_68 = tpu.vector_load %arg4[%get3A_66, %get3A_67] {strides = array<i32>} : memref<2x10240xi32, #tpu.memory_space<vmem>>, vector<16xi32>,
      tpu.vector_store_idx %arg5[%get3A_68], %broadcast_in_dim3A_26 : memref<10240xf32, #tpu.memory_space<vmem>>[vector<16xi32>], vector<16xf32>,
      %mul3A_69 = arith.constant 8 : i32
      %mul3A_70 = arith.muli %while3A_59, %mul3A_69 : i32
      %add3A_71 = arith.constant 1 : i32
      %add3A_72 = arith.addi %mul3A_70, %add3A_71 : i32
      %mul3A_73 = arith.constant 16 : i32
      %mul3A_74 = arith.muli %add3A_72, %mul3A_73 : i32
      %get3A_75 = arith.constant 1 : i32
      %get3A_76 = arith.index_cast %get3A_75 : i32 to index
      %get3A_77 = arith.index_cast %mul3A_74 : i32 to index
      %get3A_78 = tpu.vector_load %arg4[%get3A_76, %get3A_77] {strides = array<i32>} : memref<2x10240xi32, #tpu.memory_space<vmem>>, vector<16xi32>,
      tpu.vector_store_idx %arg5[%get3A_78], %broadcast_in_dim3A_26 : memref<10240xf32, #tpu.memory_space<vmem>>[vector<16xi32>], vector<16xf32>,
      %mul3A_79 = arith.constant 8 : i32
      %mul3A_80 = arith.muli %while3A_59, %mul3A_79 : i32
      %add3A_81 = arith.constant 2 : i32
      %add3A_82 = arith.addi %mul3A_80, %add3A_81 : i32
      %mul3A_83 = arith.constant 16 : i32
      %mul3A_84 = arith.muli %add3A_82, %mul3A_83 : i32
      %get3A_85 = arith.constant 1 : i32
      %get3A_86 = arith.index_cast %get3A_85 : i32 to index
      %get3A_87 = arith.index_cast %mul3A_84 : i32 to index
      %get3A_88 = tpu.vector_load %arg4[%get3A_86, %get3A_87] {strides = array<i32>} : memref<2x10240xi32, #tpu.memory_space<vmem>>, vector<16xi32>,
      tpu.vector_store_idx %arg5[%get3A_88], %broadcast_in_dim3A_26 : memref<10240xf32, #tpu.memory_space<vmem>>[vector<16xi32>], vector<16xf32>,
      %mul3A_89 = arith.constant 8 : i32
      %mul3A_90 = arith.muli %while3A_59, %mul3A_89 : i32
      %add3A_91 = arith.constant 3 : i32
      %add3A_92 = arith.addi %mul3A_90, %add3A_91 : i32
      %mul3A_93 = arith.constant 16 : i32
      %mul3A_94 = arith.muli %add3A_92, %mul3A_93 : i32
      %get3A_95 = arith.constant 1 : i32
      %get3A_96 = arith.index_cast %get3A_95 : i32 to index
      %get3A_97 = arith.index_cast %mul3A_94 : i32 to index
      %get3A_98 = tpu.vector_load %arg4[%get3A_96, %get3A_97] {strides = array<i32>} : memref<2x10240xi32, #tpu.memory_space<vmem>>, vector<16xi32>,
      tpu.vector_store_idx %arg5[%get3A_98], %broadcast_in_dim3A_26 : memref<10240xf32, #tpu.memory_space<vmem>>[vector<16xi32>], vector<16xf32>,
      %mul3A_99 = arith.constant 8 : i32
      %mul3A_100 = arith.muli %while3A_59, %mul3A_99 : i32
      %add3A_101 = arith.constant 4 : i32
      %add3A_102 = arith.addi %mul3A_100, %add3A_101 : i32
      %mul3A_103 = arith.constant 16 : i32
      %mul3A_104 = arith.muli %add3A_102, %mul3A_103 : i32
      %get3A_105 = arith.constant 1 : i32
      %get3A_106 = arith.index_cast %get3A_105 : i32 to index
      %get3A_107 = arith.index_cast %mul3A_104 : i32 to index
      %get3A_108 = tpu.vector_load %arg4[%get3A_106, %get3A_107] {strides = array<i32>} : memref<2x10240xi32, #tpu.memory_space<vmem>>, vector<16xi32>,
      tpu.vector_store_idx %arg5[%get3A_108], %broadcast_in_dim3A_26 : memref<10240xf32, #tpu.memory_space<vmem>>[vector<16xi32>], vector<16xf32>,
      %mul3A_109 = arith.constant 8 : i32
      %mul3A_110 = arith.muli %while3A_59, %mul3A_109 : i32
      %add3A_111 = arith.constant 5 : i32
      %add3A_112 = arith.addi %mul3A_110, %add3A_111 : i32
      %mul3A_113 = arith.constant 16 : i32
      %mul3A_114 = arith.muli %add3A_112, %mul3A_113 : i32
      %get3A_115 = arith.constant 1 : i32
      %get3A_116 = arith.index_cast %get3A_115 : i32 to index
      %get3A_117 = arith.index_cast %mul3A_114 : i32 to index
      %get3A_118 = tpu.vector_load %arg4[%get3A_116, %get3A_117] {strides = array<i32>} : memref<2x10240xi32, #tpu.memory_space<vmem>>, vector<16xi32>,
      tpu.vector_store_idx %arg5[%get3A_118], %broadcast_in_dim3A_26 : memref<10240xf32, #tpu.memory_space<vmem>>[vector<16xi32>], vector<16xf32>,
      %mul3A_119 = arith.constant 8 : i32
      %mul3A_120 = arith.muli %while3A_59, %mul3A_119 : i32
      %add3A_121 = arith.constant 6 : i32
      %add3A_122 = arith.addi %mul3A_120, %add3A_121 : i32
      %mul3A_123 = arith.constant 16 : i32
      %mul3A_124 = arith.muli %add3A_122, %mul3A_123 : i32
      %get3A_125 = arith.constant 1 : i32
      %get3A_126 = arith.index_cast %get3A_125 : i32 to index
      %get3A_127 = arith.index_cast %mul3A_124 : i32 to index
      %get3A_128 = tpu.vector_load %arg4[%get3A_126, %get3A_127] {strides = array<i32>} : memref<2x10240xi32, #tpu.memory_space<vmem>>, vector<16xi32>,
      tpu.vector_store_idx %arg5[%get3A_128], %broadcast_in_dim3A_26 : memref<10240xf32, #tpu.memory_space<vmem>>[vector<16xi32>], vector<16xf32>,
      %mul3A_129 = arith.constant 8 : i32
      %mul3A_130 = arith.muli %while3A_59, %mul3A_129 : i32
      %add3A_131 = arith.constant 7 : i32
      %add3A_132 = arith.addi %mul3A_130, %add3A_131 : i32
      %mul3A_133 = arith.constant 16 : i32
      %mul3A_134 = arith.muli %add3A_132, %mul3A_133 : i32
      %get3A_135 = arith.constant 1 : i32
      %get3A_136 = arith.index_cast %get3A_135 : i32 to index
      %get3A_137 = arith.index_cast %mul3A_134 : i32 to index
      %get3A_138 = tpu.vector_load %arg4[%get3A_136, %get3A_137] {strides = array<i32>} : memref<2x10240xi32, #tpu.memory_space<vmem>>, vector<16xi32>,
      tpu.vector_store_idx %arg5[%get3A_138], %broadcast_in_dim3A_26 : memref<10240xf32, #tpu.memory_space<vmem>>[vector<16xi32>], vector<16xf32>,
    }
    %while3A_56 = arith.constant 1 : i32
    scf.for %while3A_59 = %while3A_54 to %while3A_50 step %while3A_56  : i32 {
      %mul3A_60 = arith.constant 8 : i32
      %mul3A_61 = arith.muli %while3A_59, %mul3A_60 : i32
      %add3A_62 = arith.constant 0 : i32
      %add3A_63 = arith.addi %mul3A_61, %add3A_62 : i32
      %mul3A_64 = arith.constant 16 : i32
      %mul3A_65 = arith.muli %add3A_63, %mul3A_64 : i32
      %get3A = arith.constant 1 : i32
      %get3A_66 = arith.index_cast %get3A : i32 to index
      %get3A_67 = arith.index_cast %mul3A_65 : i32 to index
      %get3A_68 = tpu.vector_load %arg4[%get3A_66, %get3A_67] {strides = array<i32>} : memref<2x10240xi32, #tpu.memory_space<vmem>>, vector<16xi32>,
      tpu.vector_store_idx %arg5[%get3A_68], %broadcast_in_dim3A_26 : memref<10240xf32, #tpu.memory_space<vmem>>[vector<16xi32>], vector<16xf32>,
      %mul3A_69 = arith.constant 8 : i32
      %mul3A_70 = arith.muli %while3A_59, %mul3A_69 : i32
      %add3A_71 = arith.constant 1 : i32
      %add3A_72 = arith.addi %mul3A_70, %add3A_71 : i32
      %mul3A_73 = arith.constant 16 : i32
      %mul3A_74 = arith.muli %add3A_72, %mul3A_73 : i32
      %get3A_75 = arith.constant 1 : i32
      %get3A_76 = arith.index_cast %get3A_75 : i32 to index
      %get3A_77 = arith.index_cast %mul3A_74 : i32 to index
      %get3A_78 = tpu.vector_load %arg4[%get3A_76, %get3A_77] {strides = array<i32>} : memref<2x10240xi32, #tpu.memory_space<vmem>>, vector<16xi32>,
      tpu.vector_store_idx %arg5[%get3A_78], %broadcast_in_dim3A_26 : memref<10240xf32, #tpu.memory_space<vmem>>[vector<16xi32>], vector<16xf32>,
      %mul3A_79 = arith.constant 8 : i32
      %mul3A_80 = arith.muli %while3A_59, %mul3A_79 : i32
      %add3A_81 = arith.constant 2 : i32
      %add3A_82 = arith.addi %mul3A_80, %add3A_81 : i32
      %mul3A_83 = arith.constant 16 : i32
      %mul3A_84 = arith.muli %add3A_82, %mul3A_83 : i32
      %get3A_85 = arith.constant 1 : i32
      %get3A_86 = arith.index_cast %get3A_85 : i32 to index
      %get3A_87 = arith.index_cast %mul3A_84 : i32 to index
      %get3A_88 = tpu.vector_load %arg4[%get3A_86, %get3A_87] {strides = array<i32>} : memref<2x10240xi32, #tpu.memory_space<vmem>>, vector<16xi32>,
      tpu.vector_store_idx %arg5[%get3A_88], %broadcast_in_dim3A_26 : memref<10240xf32, #tpu.memory_space<vmem>>[vector<16xi32>], vector<16xf32>,
      %mul3A_89 = arith.constant 8 : i32
      %mul3A_90 = arith.muli %while3A_59, %mul3A_89 : i32
      %add3A_91 = arith.constant 3 : i32
      %add3A_92 = arith.addi %mul3A_90, %add3A_91 : i32
      %mul3A_93 = arith.constant 16 : i32
      %mul3A_94 = arith.muli %add3A_92, %mul3A_93 : i32
      %get3A_95 = arith.constant 1 : i32
      %get3A_96 = arith.index_cast %get3A_95 : i32 to index
      %get3A_97 = arith.index_cast %mul3A_94 : i32 to index
      %get3A_98 = tpu.vector_load %arg4[%get3A_96, %get3A_97] {strides = array<i32>} : memref<2x10240xi32, #tpu.memory_space<vmem>>, vector<16xi32>,
      tpu.vector_store_idx %arg5[%get3A_98], %broadcast_in_dim3A_26 : memref<10240xf32, #tpu.memory_space<vmem>>[vector<16xi32>], vector<16xf32>,
      %mul3A_99 = arith.constant 8 : i32
      %mul3A_100 = arith.muli %while3A_59, %mul3A_99 : i32
      %add3A_101 = arith.constant 4 : i32
      %add3A_102 = arith.addi %mul3A_100, %add3A_101 : i32
      %mul3A_103 = arith.constant 16 : i32
      %mul3A_104 = arith.muli %add3A_102, %mul3A_103 : i32
      %get3A_105 = arith.constant 1 : i32
      %get3A_106 = arith.index_cast %get3A_105 : i32 to index
      %get3A_107 = arith.index_cast %mul3A_104 : i32 to index
      %get3A_108 = tpu.vector_load %arg4[%get3A_106, %get3A_107] {strides = array<i32>} : memref<2x10240xi32, #tpu.memory_space<vmem>>, vector<16xi32>,
      tpu.vector_store_idx %arg5[%get3A_108], %broadcast_in_dim3A_26 : memref<10240xf32, #tpu.memory_space<vmem>>[vector<16xi32>], vector<16xf32>,
      %mul3A_109 = arith.constant 8 : i32
      %mul3A_110 = arith.muli %while3A_59, %mul3A_109 : i32
      %add3A_111 = arith.constant 5 : i32
      %add3A_112 = arith.addi %mul3A_110, %add3A_111 : i32
      %mul3A_113 = arith.constant 16 : i32
      %mul3A_114 = arith.muli %add3A_112, %mul3A_113 : i32
      %get3A_115 = arith.constant 1 : i32
      %get3A_116 = arith.index_cast %get3A_115 : i32 to index
      %get3A_117 = arith.index_cast %mul3A_114 : i32 to index
      %get3A_118 = tpu.vector_load %arg4[%get3A_116, %get3A_117] {strides = array<i32>} : memref<2x10240xi32, #tpu.memory_space<vmem>>, vector<16xi32>,
      tpu.vector_store_idx %arg5[%get3A_118], %broadcast_in_dim3A_26 : memref<10240xf32, #tpu.memory_space<vmem>>[vector<16xi32>], vector<16xf32>,
      %mul3A_119 = arith.constant 8 : i32
      %mul3A_120 = arith.muli %while3A_59, %mul3A_119 : i32
      %add3A_121 = arith.constant 6 : i32
      %add3A_122 = arith.addi %mul3A_120, %add3A_121 : i32
      %mul3A_123 = arith.constant 16 : i32
      %mul3A_124 = arith.muli %add3A_122, %mul3A_123 : i32
      %get3A_125 = arith.constant 1 : i32
      %get3A_126 = arith.index_cast %get3A_125 : i32 to index
      %get3A_127 = arith.index_cast %mul3A_124 : i32 to index
      %get3A_128 = tpu.vector_load %arg4[%get3A_126, %get3A_127] {strides = array<i32>} : memref<2x10240xi32, #tpu.memory_space<vmem>>, vector<16xi32>,
      tpu.vector_store_idx %arg5[%get3A_128], %broadcast_in_dim3A_26 : memref<10240xf32, #tpu.memory_space<vmem>>[vector<16xi32>], vector<16xf32>,
      %mul3A_129 = arith.constant 8 : i32
      %mul3A_130 = arith.muli %while3A_59, %mul3A_129 : i32
      %add3A_131 = arith.constant 7 : i32
      %add3A_132 = arith.addi %mul3A_130, %add3A_131 : i32
      %mul3A_133 = arith.constant 16 : i32
      %mul3A_134 = arith.muli %add3A_132, %mul3A_133 : i32
      %get3A_135 = arith.constant 1 : i32
      %get3A_136 = arith.index_cast %get3A_135 : i32 to index
      %get3A_137 = arith.index_cast %mul3A_134 : i32 to index
      %get3A_138 = tpu.vector_load %arg4[%get3A_136, %get3A_137] {strides = array<i32>} : memref<2x10240xi32, #tpu.memory_space<vmem>>, vector<16xi32>,
      tpu.vector_store_idx %arg5[%get3A_138], %broadcast_in_dim3A_26 : memref<10240xf32, #tpu.memory_space<vmem>>[vector<16xi32>], vector<16xf32>,
    }
    %mul3A_57 = arith.constant 10240 : i32
    %mul3A_58 = arith.muli %add3A, %mul3A_57 : i32
    "tpu.region"() ({
      %run_scoped3A = tpu.sem_alloc : memref<!tpu.dma_semaphore, #tpu.memory_space<semaphore_mem>>
      %dma_start3A = tpu.memref_slice %arg3[%mul3A_58] : memref<327680xf32, #tpu.memory_space<hbm>> -> memref<10240xf32, #tpu.memory_space<hbm>>
      %dma_start3A_59 = tpu.memref_slice %arg3[%mul3A_58] : memref<327680xf32, #tpu.memory_space<hbm>> -> memref<10240xf32, #tpu.memory_space<hbm>>
      tpu.enqueue_dma source(%arg5 : memref<10240xf32, #tpu.memory_space<vmem>>) target(%dma_start3A_59 : memref<10240xf32, #tpu.memory_space<hbm>>) target_semaphore(%run_scoped3A : memref<!tpu.dma_semaphore, #tpu.memory_space<semaphore_mem>>)
      %dma_wait3A = tpu.memref_slice %arg3[%mul3A_58] : memref<327680xf32, #tpu.memory_space<hbm>> -> memref<10240xf32, #tpu.memory_space<hbm>>
      %dma_wait3A_60 = tpu.memref_slice %arg3[%mul3A_58] : memref<327680xf32, #tpu.memory_space<hbm>> -> memref<10240xf32, #tpu.memory_space<hbm>>
      tpu.wait_dma2 semaphore(%run_scoped3A : memref<!tpu.dma_semaphore, #tpu.memory_space<semaphore_mem>>) src(%arg5 : memref<10240xf32, #tpu.memory_space<vmem>>) dst(%dma_wait3A_60 : memref<10240xf32, #tpu.memory_space<hbm>>)
      tpu.yield
    }) : () -> ()
    return
  }
}

module attributes {stable_mosaic.version = 14 : i64} {
  func.func @_reduce_broadcast_tc(%arg0: i32, %arg1: memref<32x8x128xf32, #tpu.memory_space<vmem>>, %arg2: memref<1024x128xf32, #tpu.memory_space<vmem>>) attributes {dimension_semantics = [#tpu.dimension_semantics<arbitrary>], iteration_bounds = array<i64: 10>, scalar_prefetch = 0 : i64, scratch_operands = 0 : i64, tpu.core_type = #tpu.core_type<tc>, window_params = [{transform_indices = @transform_0, window_bounds = array<i64: 32, 8, 128>}, {transform_indices = @transform_1, window_bounds = array<i64: 1024, 128>}]} {
    %get3A = arith.constant 0 : index
    %get3A_0 = arith.constant 0 : index
    %get3A_1 = arith.constant 0 : index
    %get3A_2 = vector.load %arg1[%get3A, %get3A_0, %get3A_1] : memref<32x8x128xf32, #tpu.memory_space<vmem>>, vector<32x8x128xf32>
    %reduce_sum3A = arith.constant dense<0.000000e+00> : vector<8x128xf32>
    %reduce_sum3A_3 = vector.multi_reduction <add>, %get3A_2, %reduce_sum3A [0] : vector<32x8x128xf32> to vector<8x128xf32>
    %iota3A = tpu.iota {dimensions = array<i32: 0>} : vector<128x128xi32>
    %iota3A_4 = tpu.iota {dimensions = array<i32: 1>} : vector<128x128xi32>
    %eq3A = arith.cmpi eq, %iota3A, %iota3A_4 : vector<128x128xi32>
    %convert_element_type3A = arith.extui %eq3A : vector<128x128xi1> to vector<128x128xi32>
    %convert_element_type3A_5 = arith.sitofp %convert_element_type3A : vector<128x128xi32> to vector<128x128xf32>
    %dot_general3A = arith.constant dense<0.000000e+00> : vector<128x8xf32>
    %dot_general3A_6 = tpu.matmul %convert_element_type3A_5, %reduce_sum3A_3, %dot_general3A {dimension_numbers = #tpu.dot_dimension_numbers<[1], [1], [0], [0], [0, 0, 1, 0], [], []>, transpose_lhs_hint = false} : vector<128x128xf32>, vector<8x128xf32>, vector<128x8xf32> -> vector<128x8xf32>
    %gt3A = arith.constant 0.000000e+00 : f32
    %gt3A_7 = vector.broadcast %gt3A : f32 to vector<128x8xf32>
    %gt3A_8 = arith.cmpf ogt, %dot_general3A_6, %gt3A_7 : vector<128x8xf32>
    %jit3A = arith.constant 1.000000e+00 : f32
    %jit3A_9 = arith.constant 0.000000e+00 : f32
    %broadcast_in_dim3A = vector.broadcast %jit3A : f32 to vector<128x8xf32>
    %broadcast_in_dim3A_10 = vector.broadcast %jit3A_9 : f32 to vector<128x8xf32>
    %select_n3A = arith.select %gt3A_8, %broadcast_in_dim3A, %broadcast_in_dim3A_10 : vector<128x8xi1>, vector<128x8xf32>
    %slice3A = vector.extract_strided_slice %select_n3A {offsets = [0, 0], sizes = [128, 1], strides = [1, 1]} : vector<128x8xf32> to vector<128x1xf32>
    %broadcast_in_dim3A_11 = vector.shape_cast %slice3A : vector<128x1xf32> to vector<128x1xf32>
    %broadcast_in_dim3A_12 = vector.broadcast %broadcast_in_dim3A_11 : vector<128x1xf32> to vector<128x128xf32>
    %slice3A_13 = vector.extract_strided_slice %select_n3A {offsets = [0, 1], sizes = [128, 1], strides = [1, 1]} : vector<128x8xf32> to vector<128x1xf32>
    %broadcast_in_dim3A_14 = vector.shape_cast %slice3A_13 : vector<128x1xf32> to vector<128x1xf32>
    %broadcast_in_dim3A_15 = vector.broadcast %broadcast_in_dim3A_14 : vector<128x1xf32> to vector<128x128xf32>
    %slice3A_16 = vector.extract_strided_slice %select_n3A {offsets = [0, 2], sizes = [128, 1], strides = [1, 1]} : vector<128x8xf32> to vector<128x1xf32>
    %broadcast_in_dim3A_17 = vector.shape_cast %slice3A_16 : vector<128x1xf32> to vector<128x1xf32>
    %broadcast_in_dim3A_18 = vector.broadcast %broadcast_in_dim3A_17 : vector<128x1xf32> to vector<128x128xf32>
    %slice3A_19 = vector.extract_strided_slice %select_n3A {offsets = [0, 3], sizes = [128, 1], strides = [1, 1]} : vector<128x8xf32> to vector<128x1xf32>
    %broadcast_in_dim3A_20 = vector.shape_cast %slice3A_19 : vector<128x1xf32> to vector<128x1xf32>
    %broadcast_in_dim3A_21 = vector.broadcast %broadcast_in_dim3A_20 : vector<128x1xf32> to vector<128x128xf32>
    %slice3A_22 = vector.extract_strided_slice %select_n3A {offsets = [0, 4], sizes = [128, 1], strides = [1, 1]} : vector<128x8xf32> to vector<128x1xf32>
    %broadcast_in_dim3A_23 = vector.shape_cast %slice3A_22 : vector<128x1xf32> to vector<128x1xf32>
    %broadcast_in_dim3A_24 = vector.broadcast %broadcast_in_dim3A_23 : vector<128x1xf32> to vector<128x128xf32>
    %slice3A_25 = vector.extract_strided_slice %select_n3A {offsets = [0, 5], sizes = [128, 1], strides = [1, 1]} : vector<128x8xf32> to vector<128x1xf32>
    %broadcast_in_dim3A_26 = vector.shape_cast %slice3A_25 : vector<128x1xf32> to vector<128x1xf32>
    %broadcast_in_dim3A_27 = vector.broadcast %broadcast_in_dim3A_26 : vector<128x1xf32> to vector<128x128xf32>
    %slice3A_28 = vector.extract_strided_slice %select_n3A {offsets = [0, 6], sizes = [128, 1], strides = [1, 1]} : vector<128x8xf32> to vector<128x1xf32>
    %broadcast_in_dim3A_29 = vector.shape_cast %slice3A_28 : vector<128x1xf32> to vector<128x1xf32>
    %broadcast_in_dim3A_30 = vector.broadcast %broadcast_in_dim3A_29 : vector<128x1xf32> to vector<128x128xf32>
    %slice3A_31 = vector.extract_strided_slice %select_n3A {offsets = [0, 7], sizes = [128, 1], strides = [1, 1]} : vector<128x8xf32> to vector<128x1xf32>
    %broadcast_in_dim3A_32 = vector.shape_cast %slice3A_31 : vector<128x1xf32> to vector<128x1xf32>
    %broadcast_in_dim3A_33 = vector.broadcast %broadcast_in_dim3A_32 : vector<128x1xf32> to vector<128x128xf32>
    %concatenate3A = tpu.concatenate %broadcast_in_dim3A_12, %broadcast_in_dim3A_15, %broadcast_in_dim3A_18, %broadcast_in_dim3A_21, %broadcast_in_dim3A_24, %broadcast_in_dim3A_27, %broadcast_in_dim3A_30, %broadcast_in_dim3A_33 in 0 : vector<128x128xf32>, vector<128x128xf32>, vector<128x128xf32>, vector<128x128xf32>, vector<128x128xf32>, vector<128x128xf32>, vector<128x128xf32>, vector<128x128xf32> -> vector<1024x128xf32>
    %swap3A = arith.constant 0 : index
    %swap3A_34 = arith.constant 0 : index
    %swap3A_35 = vector.load %arg2[%swap3A, %swap3A_34] : memref<1024x128xf32, #tpu.memory_space<vmem>>, vector<1024x128xf32>
    tpu.vector_store %arg2[%swap3A, %swap3A_34], %concatenate3A {strides = array<i32>} : memref<1024x128xf32, #tpu.memory_space<vmem>>, vector<1024x128xf32>,
    return
  }
  func.func @transform_0(%arg0: i32) -> (i32, i32, i32) {
    %c0_i32 = arith.constant 0 : i32
    %c0_i32_0 = arith.constant 0 : i32
    %c0_i32_1 = arith.constant 0 : i32
    return %c0_i32, %arg0, %c0_i32_0 : i32, i32, i32
  }
  func.func @transform_1(%arg0: i32) -> (i32, i32) {
    %c0_i32 = arith.constant 0 : i32
    %c0_i32_0 = arith.constant 0 : i32
    return %arg0, %c0_i32 : i32, i32
  }
}

</mosaic_0001>

<sc_bundles>
// kernel: kernel.4.cloned.1.call-start
scs
__scs_entry_jumppad:
0x0: {  	(pc) =	sbr.rel $0x88, $3  }
0x1: {  	(tag) =	ssettag $0x0;
	lr =	simm.s32 $0x1  }
0x2: {  	[smem:$0x3FA0] =	sst lr;
	_ =	strace $0xD0000000  }
0x3: {  	_ = 	snop  }
0x4: {  	_ = 	snop  }
0x5: {  	_ = 	snop  }
0x6: {  	_ = 	snop  }
0x7: {  	_ = 	snop  }
__scs_overlays_trampoline_lowered:
0x8: {  	[smem:$0x3FAF] =	sst s0  }
0x9: {  	[smem:$0x3FB0] =	sst s1  }
0xa: {  	[smem:$0x3FB1] =	sst s2  }
0xb: {  	[smem:$0x3FB2] =	sst s3  }
0xc: {  	[smem:$0x3FB3] =	sst s4  }
0xd: {  	[smem:$0x3FB4] =	sst s5  }
0xe: {  	[smem:$0x3FB5] =	sst s6  }
0xf: {  	[smem:$0x3FB6] =	sst s7  }
0x10: {  	[smem:$0x3FB7] =	sst s8  }
0x11: {  	[smem:$0x3FB8] =	sst s9;
	s0 =	simm.s32 @!p0 $0x0  }
0x12: {  	s1 =	sld [smem:$0x3F9E];
	s0 =	simm.s32 @p0 $0x1  }
0x13: {  	[smem:$0x3FB9] =	sst s0;
	s0 =	simm.s32 @!p1 $0x0  }
0x14: {  	s2 =	sld [smem:$0x3F9D];
	s0 =	simm.s32 @p1 $0x1  }
0x15: {  	[smem:$0x3FBA] =	sst s0;
	s0 =	simm.s32 @!p2 $0x0  }
0x16: {  	s3 =	sld [smem:$0x3FDB];
	s0 =	simm.s32 @p2 $0x1  }
0x17: {  	s4 =	simm.s32 $0x1BF5;
	[smem:$0x3FBC] =	sst s0  }
0x18: {  	s0 =	sld [smem:$0x3F9F];
	_ =	swait.ge [sflag:s4], $0x0  }
0x19: {  	s7 =	sld [smem:$0x3FA0]  }
0x1a: {  	s8 =	sadd.s32 $0xFFFFE003, lr  }
0x1b: {  	s9 =	sadd.s32 $0xFFFFFEF7, lr;
	s5 =	simm.s32 $0xFFFFFFFF;
	p2 =	slt.u32 s8, $0xFFFFF086  }
0x1c: {  	p1 =	slt.u32 s9, $0xF7A;
	s5 =	simm.s32 @!p2 $0x0  }
0x1d: {  	s5 =	simm.s32 @p1 $0x1;
	p0 =	seq.s32 s7, s2  }
0x1e: {  	s7 =	smul.u32 @!p0 $0xF7A, s2;
	p2 =	seq.s32 @!p0 s5, $0x0  }
0x1f: {  	s9 =	smul.u32 $0xF7A, s1;
	s8 =	simm.s32 @!p0 $0x1BF5;
	p2 =	por !p2, p0  }
0x20: {  	[sflag:s8] =	ssyncset.s32 @!p0 $0xFFFFF086;
	s6 =	sadd.s32 @!p0 s3, s7;
	s7 =	simm.s32 @!p0 $0x108  }
0x21: {  	s3 =	sadd.s32 s3, s9;
	s6 =	sadd.s32 @!p0 $0x88, s6;
	s7 =	simm.s32 @p2 $0x1082  }
0x22: {  	[simem:s7], [sflag:s8] =	dma.local @!p0 [hbm:s6], $0xF7A  }
0x23: {  	s9 =	sor.u32 $0xD0000000, s2;
	s6 =	simm.s32 $0x108;
	_ =	swait.ge @!p0 [sflag:s8], $0x0  }
0x24: {  	s3 =	sadd.s32 $0x88, s3;
	s6 =	simm.s32 @!p1 $0x1082;
	[sflag:s4] =	ssyncset.s32 $0xFFFFF086  }
0x25: {  	[simem:s6], [sflag:s4] =	dma.local [hbm:s3], $0xF7A  }
0x26: {  	[smem:$0x3FA0] =	sst s1;
	(tag) =	ssettag s2;
	_ =	strace s9  }
0x27: {  	s1 =	sld [smem:$0x3FB0]  }
0x28: {  	s2 =	sld [smem:$0x3FB1]  }
0x29: {  	s4 =	sld [smem:$0x3FB3]  }
0x2a: {  	p0 =	seq.s32 s5, $0x0;
	s5 =	sld [smem:$0x3FB4]  }
0x2b: {  	s6 =	sld [smem:$0x3FB5]  }
0x2c: {  	s7 =	sld [smem:$0x3FB6]  }
0x2d: {  	s3 =	simm.s32 $0x108;
	s8 =	sld [smem:$0x3FB7]  }
0x2e: {  	s3 =	simm.s32 @!p0 $0x1082;
	s9 =	sld [smem:$0x3FB8]  }
0x2f: {  	lr =	sadd.s32 s0, s3;
	s0 =	sld [smem:$0x3FAF]  }
0x30: {  	s3 =	sld [smem:$0x3FB2]  }
0x31: {  	[smem:$0x3FBB] =	sst s10  }
0x32: {  	s10 =	sld [smem:$0x3FB9];
	_ =	sdelay $0x3  }
0x33: {  	p0 =	seq.s32 s10, $0x1;
	s10 =	sld [smem:$0x3FBB];
	_ =	sdelay $0x3  }
0x34: {  	[smem:$0x3FBB] =	sst s10  }
0x35: {  	s10 =	sld [smem:$0x3FBA];
	_ =	sdelay $0x3  }
0x36: {  	p1 =	seq.s32 s10, $0x1;
	s10 =	sld [smem:$0x3FBB];
	_ =	sdelay $0x3  }
0x37: {  	[smem:$0x3FBB] =	sst s10  }
0x38: {  	s10 =	sld [smem:$0x3FBC]  }
0x39: {  	_ = 	snop;
	(pc) =	sbr.ind lr, $3  }
0x3a: {  	_ = 	snop  }
0x3b: {  	_ = 	snop  }
0x3c: {  	p2 =	seq.s32 s10, $0x1;
	s10 =	sld [smem:$0x3FBB]  }
0x3d: {  	_ =	shalt  }
0x3e: {  	_ =	shalt  }
0x3f: {  	_ =	shalt  }
0x40: {  	_ =	shalt  }
0x41: {  	_ =	shalt  }
0x42: {  	_ =	shalt  }
0x43: {  	_ =	shalt  }
0x44: {  	_ =	shalt  }
0x45: {  	_ =	shalt  }
0x46: {  	_ =	shalt  }
0x47: {  	_ =	shalt  }
0x48: {  	_ =	shalt  }
0x49: {  	_ =	shalt  }
0x4a: {  	_ =	shalt  }
0x4b: {  	_ =	shalt  }
0x4c: {  	_ =	shalt  }
0x4d: {  	_ =	shalt  }
0x4e: {  	_ =	shalt  }
0x4f: {  	_ =	shalt  }
0x50: {  	_ =	shalt  }
0x51: {  	_ =	shalt  }
0x52: {  	_ =	shalt  }
0x53: {  	_ =	shalt  }
0x54: {  	_ =	shalt  }
0x55: {  	_ =	shalt  }
0x56: {  	_ =	shalt  }
0x57: {  	_ =	shalt  }
0x58: {  	_ =	shalt  }
0x59: {  	_ =	shalt  }
0x5a: {  	_ =	shalt  }
0x5b: {  	_ =	shalt  }
0x5c: {  	_ =	shalt  }
0x5d: {  	_ =	shalt  }
0x5e: {  	_ =	shalt  }
0x5f: {  	_ =	shalt  }
0x60: {  	_ =	shalt  }
0x61: {  	_ =	shalt  }
0x62: {  	_ =	shalt  }
0x63: {  	_ =	shalt  }
0x64: {  	_ =	shalt  }
0x65: {  	_ =	shalt  }
0x66: {  	_ =	shalt  }
0x67: {  	_ =	shalt  }
0x68: {  	_ =	shalt  }
0x69: {  	_ =	shalt  }
0x6a: {  	_ =	shalt  }
0x6b: {  	_ =	shalt  }
0x6c: {  	_ =	shalt  }
0x6d: {  	_ =	shalt  }
0x6e: {  	_ =	shalt  }
0x6f: {  	_ =	shalt  }
0x70: {  	_ =	shalt  }
0x71: {  	_ =	shalt  }
0x72: {  	_ =	shalt  }
0x73: {  	_ =	shalt  }
0x74: {  	_ =	shalt  }
0x75: {  	_ =	shalt  }
0x76: {  	_ =	shalt  }
0x77: {  	_ =	shalt  }
0x78: {  	_ =	shalt  }
0x79: {  	_ =	shalt  }
0x7a: {  	_ =	shalt  }
0x7b: {  	_ =	shalt  }
0x7c: {  	_ =	shalt  }
0x7d: {  	_ =	shalt  }
0x7e: {  	_ =	shalt  }
0x7f: {  	_ =	shalt  }
0x80: {  	_ =	shalt  }
0x81: {  	_ =	shalt  }
0x82: {  	_ =	shalt  }
0x83: {  	_ =	shalt  }
0x84: {  	_ =	shalt  }
0x85: {  	_ =	shalt  }
0x86: {  	_ =	shalt  }
0x87: {  	_ =	shalt  }
.Lfunc_end0:
.L_simem_size_0:
called_computation_lowered:
.L_overlay_start_0:
0x88: {  	s2 =	sld [smem:$0x3FD9]  }
0x89: {  	s3 =	sld [smem:$0x3FFE];
	_ =	sdelay $0x1  }
0x8a: {  	s1 =	srdreg.scid  }
0x8b: {  	s0 =	sand.u32 $0x1, s1  }
0x8c: {  	s18 =	sshll.u32 s0, $0xA;
	s2 =	sadd.s32 s3, s2  }
0x8d: {  	s2 =	sadd.s32 s2, s18  }
0x8e: {  	[smem:$0x3FC7] =	sst s2  }
0x8f: {  	_ = 	snop  }
0x90: {  	s2 =	sld [smem:$0x3FC9]  }
0x91: {  	s19 =	sld [smem:$0x3FD0];
	(tm) =	ssettm $0x1  }
0x92: {  	s4 =	sld [smem:$0x3FFB];
	_ =	sdelay $0x3  }
0x93: {  	_ =	strace s4  }
0x94: {  	s4 =	sld [smem:$0x3FFC];
	_ =	sdelay $0x3  }
0x95: {  	_ =	strace s4  }
0x96: {  	s4 =	sld [smem:$0x3FFD];
	_ =	sdelay $0x3  }
0x97: {  	_ =	strace s4  }
0x98: {  	_ =	strace $0x8FFFFFFF  }
0x99: {  	s20 =	sld [smem:$0x3FDB];
	_ =	sdelay $0x1  }
0x9a: {  	s5 =	simm.s32 $_scs_section_size  }
0x9b: {  	s6 =	simm.s32 $_size__tile_overlayer_lowered;
	s7 =	simm.s32 $_tile_overlayer_lowered  }
0x9c: {  	s23 =	simm.s32 $0x1BFF;
	s22 =	sshll.u32 s7, $0x1;
	s4 =	sadd.s32 s5, s20  }
0x9d: {  	s8 =	simm.s32 $0x0;
	s21 =	sshll.u32 s6, $0x1;
	s6 =	sadd.s32 s22, s4  }
0x9e: {  	[timem:s8], [sflag:s23] =	dma.local [hbm:s6], s21  }
0x9f: {  	_ =	swait.ge [sflag:s23], s21  }
0xa0: {  	s5 =	ssub.s32 $0x0, s21;
	[sflag:s23] =	ssyncset.done $0x0  }
0xa1: {  	[sflag:s23] =	ssyncadd.s32 s5;
	_ =	sdelay $0x1  }
0xa2: {  	s24 =	simm.s32 $0x1B8B  }
0xa3: {  	_ =	swait.ge [sflag:s24], $0x1  }
0xa4: {  	[sflag:s24] =	ssyncset.done $0x0  }
0xa5: {  	s25 =	simm.s32 $0x1B8E;
	[sflag:s24] =	ssyncadd.s32 $0xFFFFFFFF  }
0xa6: {  	s26 =	simm.s32 $execute0_lowered;
	[smem:$0x3FD2] =	sst s25  }
0xa7: {  	s5 =	sshll.u32 s26, $0x1;
	_ =	strace $0x80000046;
	[dreg:$0x1] =	wrdreg $0xFFFFFFFF  }
0xa8: {  	s28 =	simm.s32 $_size_execute0_lowered;
	s4 =	sadd.s32 s4, s5;
	[dreg:$0x0] =	wrdreg $0x0  }
0xa9: {  	s5 =	sshll.u32 s28, $0x1;
	[dreg:$0x2] =	wrdreg s4  }
0xaa: {  	[dreg:$0x3] =	wrdreg s5  }
0xab: {  	[dreg:$0x4] =	wrdreg $0xC0  }
0xac: {  	_ =	task [dreg:s8], $0x5FFFF  }
0xad: {  	[dreg:$0x1] =	wrdreg $0xFFFFFFFF  }
0xae: {  	[dreg:$0x0] =	wrdreg $0x60  }
0xaf: {  	[dreg:$0x2] =	wrdreg s2  }
0xb0: {  	[dreg:$0x3] =	wrdreg s19  }
0xb1: {  	[dreg:$0x4] =	wrdreg $0x9  }
0xb2: {  	_ =	task.clear_ibuf [dreg:s8], $0x5FFFF;
	_ =	strace $0x90000046  }
0xb3: {  	s29 =	simm.s32 $0x9;
	_ =	strace $0x80000048  }
0xb4: {  	_ =	swait.ge [sflag:s29], $0x1  }
0xb5: {  	[sflag:s29] =	ssyncadd.s32 $0xFFFFFFFF  }
0xb6: {  	_ =	strace $0x90000048  }
0xb7: {  	_ =	sfence  }
0xb8: {  	s30 =	sld [smem:$0x0];
	_ =	sdelay $0x2  }
0xb9: {  	s31 =	sshll.u32 s1, $0xD;
	s1 =	sshrl.u32 s1, $0x2  }
0xba: {  	s3 =	sand.u32 $0x4000, s31;
	s1 =	sadd.s32 s1, s30  }
0xbb: {  	s0 =	sor.u32 s3, s0;
	s1 =	sshll.u32 s1, $0x11  }
0xbc: {  	s0 =	sor.u32 s1, s0  }
0xbd: {  	s0 =	sadd.s32 $0x8F2B, s0  }
0xbe: {  	[sflag:s0] =	ssyncadd.remote.s32 $0x1  }
0xbf: {  	_ =	sfence.sel $0xFFFF  }
0xc0: {  	[dreg:$0x0] =	wrdreg $0xFFFFFFFF;
	(pc) =	sbr.abs _section_cstart, $3  }
0xc1: {  	[dreg:$0x1] =	wrdreg $0xFFFFFFFF  }
0xc2: {  	_ =	task.clear_ibuf [dreg:s8], $0x2FFFF;
	_ =	strace $0x9FFFFFFF  }
0xc3: {  	(tm) =	ssettm $0x7FFFFFFF  }
tec
execute0_lowered:
.L_overlay_start_1:
0x0: {  	(tag) =	ssettag $0x1  }
0x1: {  	s0 =	srdreg.scid  }
0x2: {  	s4 =	rddreg [dreg:$0x0];
	s3 =	sand.u32 $0x1, s0  }
0x3: {  	s5 =	rddreg [dreg:$0x1];
	s1 =	stileid.u32;
	s6 =	sshll.u32 s3, $0x4  }
0x4: {  	s2 =	simm.s32 $0x0;
	s0 =	rddreg [dreg:$0x2];
	s7 =	sor.u32 s1, s6  }
0x5: {  	[smem:$0x7FF] =	sst s2;
	s3 =	ssub.s32 $0x2, s3;
	s6 =	smul.u32 $0xA00, s7  }
0x6: {  	_ =	strace $0x80000047;
	s8 =	sshrl.u32 s3, $0x1;
	s9 =	smul.u32 $0x500, s7  }
0x7: {  	s8 =	ssub.s32 s3, s8;
	p0 =	seq.s32 s7, $0x1F;
	s7 =	simm.s32 $0x5000  }
0x8: {  	s3 =	sadd.s32 s4, s6;
	s4 =	sadd.s32 $0x13600, s4;
	s5 =	sadd.s32 s5, s9  }
0x9: {  	v0 =	vimm.f32 $0.0e+00;
	v1 =	vimm.f32 $1.000000000e+00;
	s6 =	smax.u32 s8, $0x1;
	s8 =	simm.s32 $0x2;
	s9 =	simm.s32 $0x0  }
.LBB2_1:
0xa: {  	s10 =	simm.s32 @p0 $0x0  }
0xb: {  	[tilespmem:s10], [sflag:$0x1] =	stream.linear.gather @p0 [hbm4b:s4+s10], $0x1400, $0x38;
	[tilespmem:$0x7800] =	vst v63  }
0xc: {  	s10 =	simm.s32 @!p0 $0x0  }
0xd: {  	[tilespmem:s10], [sflag:$0x1] =	stream.linear.gather @!p0 [hbm4b:s3+s10], $0x5000, $0x38;
	[tilespmem:$0x7800] =	vst v63  }
0xe: {  	s11 =	simm.s32 $0x200;
	s10 =	simm.s32 $0x0  }
.LBB2_2:
0xf: {  	p1 =	sne.s32 s11, $0x9E00;
	[tilespmem:s10+$0x5070] =	vst v0  }
0x10: {  	[tilespmem:s10+$0x5000] =	vst v0  }
0x11: {  	[tilespmem:s10+$0x5010] =	vst v0  }
.Ltmp0:
0x12: {  	[tilespmem:s10+$0x5020] =	vst v0;
	(pc) =	sbr.rel @p1 .LBB2_2-.Ltmp0, $4  }
0x13: {  	[tilespmem:s10+$0x5030] =	vst v0  }
0x14: {  	[tilespmem:s10+$0x5040] =	vst v0  }
0x15: {  	[tilespmem:s10+$0x5050] =	vst v0  }
0x16: {  	[tilespmem:s10+$0x5060] =	vst v0;
	s10 =	sshra.s32 s11, $0x2;
	s11 =	sadd.s32 $0x200, s11  }
0x17: {  	[tilespmem:s10+$0x5070] =	vst v0  }
0x18: {  	[tilespmem:s10+$0x5000] =	vst v0  }
0x19: {  	[tilespmem:s10+$0x5010] =	vst v0  }
0x1a: {  	[tilespmem:s10+$0x5020] =	vst v0  }
0x1b: {  	[tilespmem:s10+$0x5030] =	vst v0  }
0x1c: {  	[tilespmem:s10+$0x5040] =	vst v0  }
0x1d: {  	[tilespmem:s10+$0x5050] =	vst v0  }
0x1e: {  	[tilespmem:s10+$0x5060] =	vst v0;
	s10 =	simm.s32 @p0 $0x1  }
0x1f: {  	_ =	swait.ge @p0 [sflag:s10], $0x1400  }
0x20: {  	[sflag:s10] =	ssyncset.done @p0 $0x0  }
0x21: {  	s11 =	simm.s32 @!p0 $0x1;
	[sflag:s10] =	ssyncadd.s32 @p0 $0xFFFFEC00  }
0x22: {  	_ =	swait.ge @!p0 [sflag:s11], $0x5000  }
0x23: {  	s10 =	simm.s32 @!p0 $0x50;
	[sflag:s11] =	ssyncset.done @!p0 $0x0  }
0x24: {  	s10 =	simm.s32 @p0 $0x14;
	[sflag:s11] =	ssyncadd.s32 @!p0 $0xFFFFB000;
	s11 =	simm.s32 $0xF0  }
.LBB2_4:
0x25: {  	v2 =	vld [tilespmem:s11+$0xFFFFFF90];
	_ =	sdelay $0x7  }
0x26: {  	[tilespmem:v2+s7+$0x0] =	vst.idx.msk $0xffff, v1  }
0x27: {  	v2 =	vld [tilespmem:s11+$0xFFFFFFA0];
	_ =	sdelay $0x7  }
0x28: {  	[tilespmem:v2+s7+$0x0] =	vst.idx.msk $0xffff, v1  }
0x29: {  	v2 =	vld [tilespmem:s11+$0xFFFFFFB0];
	_ =	sdelay $0x7  }
0x2a: {  	[tilespmem:v2+s7+$0x0] =	vst.idx.msk $0xffff, v1  }
0x2b: {  	v2 =	vld [tilespmem:s11+$0xFFFFFFC0];
	_ =	sdelay $0x7  }
0x2c: {  	[tilespmem:v2+s7+$0x0] =	vst.idx.msk $0xffff, v1  }
0x2d: {  	v2 =	vld [tilespmem:s11+$0xFFFFFFD0];
	_ =	sdelay $0x7  }
0x2e: {  	[tilespmem:v2+s7+$0x0] =	vst.idx.msk $0xffff, v1  }
0x2f: {  	v2 =	vld [tilespmem:s11+$0xFFFFFFE0];
	_ =	sdelay $0x7  }
0x30: {  	[tilespmem:v2+s7+$0x0] =	vst.idx.msk $0xffff, v1  }
0x31: {  	v2 =	vld [tilespmem:s11+$0xFFFFFFF0];
	_ =	sdelay $0x7  }
0x32: {  	[tilespmem:v2+s7+$0x0] =	vst.idx.msk $0xffff, v1  }
0x33: {  	v2 =	vld [tilespmem:s11+$0x0];
	_ =	sdelay $0x2  }
0x34: {  	p1 =	sne.s32 s10, $0x1  }
.Ltmp1:
0x35: {  	_ = 	snop;
	(pc) =	sbr.rel @p1 .LBB2_4-.Ltmp1, $2  }
0x36: {  	_ =	sdelay $0x2  }
0x37: {  	s10 =	sadd.s32 $0xFFFFFFFF, s10;
	s11 =	sadd.s32 $0x100, s11;
	[tilespmem:v2+s7+$0x0] =	vst.idx.msk $0xffff, v1  }
0x38: {  	s9 =	sadd.s32 $0x1, s9  }
0x39: {  	p1 =	sne.s32 s9, s6  }
.Ltmp2:
0x3a: {  	_ = 	snop;
	(pc) =	sbr.rel @p1 .LBB2_1-.Ltmp2, $4  }
0x3b: {  	[hbm4b:s5+s2] =	stream.linear.scatter [tilespmem:s7], [sflag:$0x2], $0x2800, $0x38;
	[tilespmem:$0x7800] =	vst v63  }
0x3c: {  	_ =	swait.ge [sflag:s8], $0x2800  }
0x3d: {  	[sflag:s8] =	ssyncset.done $0x0  }
0x3e: {  	[sflag:s8] =	ssyncadd.s32 $0xFFFFD800  }
0x3f: {  	_ =	sfence.sel $0x180000  }
0x40: {  	[bflag:$0x0] =	sbarrier.arrive $0xFFFF  }
0x41: {  	p0 =	sne.s32 s1, $0x0;
	_ =	strace $0x90000047  }
0x42: {  	s0 =	sadd.s32 @!p0 $0x100000, s0;
	[bflag:$0x2] =	sbarrier.arrive $0xFFFF  }
0x43: {  	[sflag:s0] =	ssyncadd.tile.s32 @!p0 $0x1;
	_ =	shalt  }
.Lfunc_end2:
_tile_overlayer_lowered:
.L_overlay_start_2:
0x44: {  	(tag) =	ssettag $0x2  }
0x45: {  	s0 =	rddreg [dreg:$0x0];
	s2 =	stileid.u32  }
0x46: {  	s1 =	rddreg [dreg:$0x1];
	p0 =	sne.s32 s2, $0x0  }
0x47: {  	s3 =	rddreg [dreg:$0x2];
	[bflag:$0x3] =	sbarrier.arrive $0xFFFF;
	s2 =	simm.s32 @!p0 $0x1C02  }
0x48: {  	[timem:s3], [sflag:s2] =	dma.local @!p0 [hbm:s0], s1  }
0x49: {  	s0 =	simm.s32 @!p0 $0x2  }
0x4a: {  	_ =	swait.ge @!p0 [sflag:s0], s1  }
0x4b: {  	s1 =	ssub.s32 @!p0 $0x0, s1;
	[sflag:s0] =	ssyncset.done @!p0 $0x0  }
0x4c: {  	[sflag:s0] =	ssyncadd.s32 @!p0 s1  }
0x4d: {  	[bflag:$0x3] =	sbarrier.arrive $0xFFFF  }
0x4e: {  	_ =	shalt  }

</sc_bundles>
